<compile_context>
chip_gen: v7x
topology: tpu7x:2x2x1
jax: 0.10.2.dev20260603
libtpu: 0.0.44.dev20260713+nightly
codegen_flags: <defaults>
</compile_context>

<pallas_src>
import functools

import jax
import jax.numpy as jnp
from jax import lax
from jax.experimental import pallas as pl
from jax.experimental.pallas import tpu as pltpu
from jax.experimental.pallas import tpu_sc as plsc

K = 16
TN = 256
TNE = 512


def _topk_body(xyz_t_ref, xyz_c_ref, idx_ref, *, n):
    b = pl.program_id(0)
    rows = xyz_t_ref[0]
    allm = xyz_c_ref[0]
    mm = jnp.dot(rows, allm, preferred_element_type=jnp.float32)
    sqr = jnp.sum(rows * rows, axis=1, keepdims=True)
    sqa = jnp.sum(allm * allm, axis=0, keepdims=True)
    negd = -((-2.0 * mm + sqr) + sqa)
    iota = lax.broadcasted_iota(jnp.int32, negd.shape, 1)
    cols = []
    for t in range(K):
        am = jnp.argmax(negd, axis=1).astype(jnp.int32)[:, None]
        cols.append(am)
        if t < K - 1:
            negd = jnp.where(iota == am, -jnp.inf, negd)
    idx_ref[0] = jnp.concatenate(cols, axis=1) + b * n


def _topk_idx(xyz_t8, xyz_c8):
    b, n, _ = xyz_t8.shape
    grid = (b, n // TN)
    return pl.pallas_call(
        functools.partial(_topk_body, n=n),
        grid=grid,
        in_specs=[
            pl.BlockSpec((1, TN, 8), lambda bi, i: (bi, i, 0)),
            pl.BlockSpec((1, 8, n), lambda bi, i: (bi, 0, 0)),
        ],
        out_specs=pl.BlockSpec((1, TN, K), lambda bi, i: (bi, i, 0)),
        out_shape=jax.ShapeDtypeStruct((b, n, K), jnp.int32),
    )(xyz_t8, xyz_c8)


def _sc_gather(idx_flat, table):
    rows = idx_flat.shape[0]
    nc, ns = 2, 16
    nw = nc * ns
    rpw = rows // nw
    mesh = plsc.VectorSubcoreMesh(core_axis_name="c", subcore_axis_name="s")

    @functools.partial(
        pl.kernel, mesh=mesh,
        out_type=jax.ShapeDtypeStruct((rows, 16), jnp.float32),
        compiler_params=pltpu.CompilerParams(use_tc_tiling_on_sc=False),
        scratch_types=[
            pltpu.VMEM((rpw,), jnp.int32),
            pltpu.VMEM((rpw, 16), jnp.float32),
            pltpu.SemaphoreType.DMA,
        ],
    )
    def k(idx_hbm, table_hbm, out_hbm, idx_v, rows_v, sem):
        wid = lax.axis_index("s") * nc + lax.axis_index("c")
        base = wid * rpw
        pltpu.sync_copy(idx_hbm.at[pl.ds(base, rpw)], idx_v)
        pltpu.async_copy(table_hbm.at[idx_v], rows_v, sem).wait()
        pltpu.sync_copy(rows_v, out_hbm.at[pl.ds(base, rpw)])

    return k(idx_flat, table)


def _encode_body(knn_ref, cen_ref, feat_ref, w1t_ref, wl1t_ref, wl2t_ref,
                 b1_ref, bl1_ref, bl2_ref, wsc_ref, bsc_ref, out_ref, *, h):
    f32 = jnp.float32
    wl1t = wl1t_ref[...]
    wl2t = wl2t_ref[...]
    w_eff = jnp.dot(jnp.dot(w1t_ref[...], wl1t, preferred_element_type=f32),
                    wl2t, preferred_element_type=f32)
    b_eff = jnp.dot(jnp.dot(b1_ref[...], wl1t, preferred_element_type=f32)
                    + bl1_ref[...], wl2t, preferred_element_type=f32) \
        + bl2_ref[...]
    wc = w_eff[0:3]
    wk = w_eff[3:6]
    wd = w_eff[6:9]
    ww = w_eff[9:10]
    m_kd = jnp.concatenate([wk + wd, jnp.zeros((13, h), f32)], axis=0)
    m_cd = jnp.concatenate([wc - wd, jnp.zeros((13, h), f32)], axis=0)

    knn = knn_ref[0]
    cen = cen_ref[0]
    cen_rep = jnp.broadcast_to(cen[:, None, :],
                               (TNE, K, 16)).reshape(TNE * K, 16)
    diff = knn - cen_rep
    d2 = jnp.sum(diff * diff, axis=1, keepdims=True)
    hk = jnp.dot(knn, m_kd, preferred_element_type=f32) + d2 * ww
    maxh = jnp.max(hk.reshape(TNE, K, h), axis=1)
    enc = maxh + jnp.dot(cen, m_cd, preferred_element_type=f32) + b_eff
    enc_t = jnp.transpose(enc)
    sc_t = jnp.dot(wsc_ref[...], feat_ref[0],
                   preferred_element_type=f32) + bsc_ref[...]
    out_ref[0] = jnp.concatenate([enc_t, enc_t], axis=0) + sc_t


def _encode(knn, xyz_t16, feature, w1t16, wl1t, wl2t, b1r, bl1r, bl2r,
            wsc, bscc):
    b, n, _ = xyz_t16.shape
    h = wl1t.shape[0]
    d_in = feature.shape[1]
    d_out = wsc.shape[0]
    grid = (b, n // TNE)
    zero2 = lambda bi, i: (0, 0)
    return pl.pallas_call(
        functools.partial(_encode_body, h=h),
        grid=grid,
        in_specs=[
            pl.BlockSpec((1, TNE * K, 16), lambda bi, i: (bi, i, 0)),
            pl.BlockSpec((1, TNE, 16), lambda bi, i: (bi, i, 0)),
            pl.BlockSpec((1, d_in, TNE), lambda bi, i: (bi, 0, i)),
            pl.BlockSpec((16, h), zero2),
            pl.BlockSpec((h, h), zero2),
            pl.BlockSpec((h, h), zero2),
            pl.BlockSpec((1, h), zero2),
            pl.BlockSpec((1, h), zero2),
            pl.BlockSpec((1, h), zero2),
            pl.BlockSpec((d_out, d_in), zero2),
            pl.BlockSpec((d_out, 1), zero2),
        ],
        out_specs=pl.BlockSpec((1, d_out, TNE), lambda bi, i: (bi, 0, i)),
        out_shape=jax.ShapeDtypeStruct((b, d_out, n), jnp.float32),
    )(knn, xyz_t16, feature, w1t16, wl1t, wl2t, b1r, bl1r, bl2r, wsc, bscc)


def kernel(xyz, feature, W1, b1, Wl1, bl1, Wl2, bl2, Wsc, bsc):
    b, _, n = xyz.shape
    xyz_t = jnp.transpose(xyz, (0, 2, 1))
    xyz_t16 = jnp.pad(xyz_t, ((0, 0), (0, 0), (0, 13)))
    xyz_c8 = jnp.pad(xyz, ((0, 0), (0, 5), (0, 0)))
    xyz_t8 = xyz_t16[..., :8]

    idx = _topk_idx(xyz_t8, xyz_c8)
    table = xyz_t16.reshape(b * n, 16)
    knn_flat = _sc_gather(idx.reshape(-1), table)
    knn = knn_flat.reshape(b, n * K, 16)

    w1t16 = jnp.pad(W1.T, ((0, 6), (0, 0)))
    return _encode(knn, xyz_t16, feature, w1t16, Wl1.T, Wl2.T,
                   b1[None, :], bl1[None, :], bl2[None, :],
                   Wsc, bsc[:, None])

# --- scband reference (transcript-rebuilt; emitter-appended) ---
"""Pipeline reference for scband-local-feature-aggregation-25555055411640 (READ-ONLY COPY).

The authoritative reference and input builder live on the scoring server;
editing this copy changes nothing except your own understanding.
"""

import jax, jax.numpy as jnp
import numpy as np

B, N, D_IN, D_OUT, K = 2, 4096, 128, 256, 16
H = D_OUT // 2


def setup_inputs(seed: int = 0) -> dict:
    key = jax.random.key(seed)
    ks = jax.random.split(key, 10)
    xyz = jax.random.normal(ks[0], (B, 3, N), dtype=jnp.float32)
    feature = jax.random.normal(ks[1], (B, D_IN, N), dtype=jnp.float32)
    # Conv2d(10, H, 1) -> weight [H, 10], bias [H]
    W1 = jax.random.normal(ks[2], (H, 10), dtype=jnp.float32) * (1.0 / np.sqrt(10))
    b1 = jax.random.normal(ks[3], (H,), dtype=jnp.float32) * 0.01
    # Conv2d(H, H, 1) x2
    Wl1 = jax.random.normal(ks[4], (H, H), dtype=jnp.float32) * (1.0 / np.sqrt(H))
    bl1 = jax.random.normal(ks[5], (H,), dtype=jnp.float32) * 0.01
    Wl2 = jax.random.normal(ks[6], (H, H), dtype=jnp.float32) * (1.0 / np.sqrt(H))
    bl2 = jax.random.normal(ks[7], (H,), dtype=jnp.float32) * 0.01
    # Conv1d(D_IN, D_OUT, 1) -> weight [D_OUT, D_IN], bias [D_OUT]
    Wsc = jax.random.normal(ks[8], (D_OUT, D_IN), dtype=jnp.float32) * (1.0 / np.sqrt(D_IN))
    bsc = jax.random.normal(ks[9], (D_OUT,), dtype=jnp.float32) * 0.01
    return {"xyz": xyz, "feature": feature, "W1": W1, "b1": b1,
            "Wl1": Wl1, "bl1": bl1, "Wl2": Wl2, "bl2": bl2,
            "Wsc": Wsc, "bsc": bsc}


def reference(xyz, feature, W1, b1, Wl1, bl1, Wl2, bl2, Wsc, bsc):
    # xyz: [B, 3, N], feature: [B, D_IN, N]
    xyz_t = jnp.transpose(xyz, (0, 2, 1))  # [B, N, 3]
    # square_distance fallback (CPU path in original module)
    sq = jnp.sum(xyz_t ** 2, axis=-1)  # [B, N]
    dist = -2.0 * jnp.einsum('bnc,bmc->bnm', xyz_t, xyz_t)
    dist = dist + sq[:, :, None] + sq[:, None, :]
    # topk smallest distances -> neighbor indices [B, N, K]
    _, idx = jax.lax.top_k(-dist, K)
    # index_points: gather neighbor coords [B, N, K, 3]
    knn_xyz = jax.vmap(lambda p, i: p[i])(xyz_t, idx)
    center_xyz = jnp.broadcast_to(xyz_t[:, :, None, :], knn_xyz.shape)
    diff_xyz = knn_xyz - center_xyz
    dist_xyz = jnp.sum(diff_xyz ** 2, axis=-1, keepdims=True)  # [B, N, K, 1]
    pos_enc = jnp.concatenate((center_xyz, knn_xyz, diff_xyz, dist_xyz), axis=-1)  # [B, N, K, 10]
    # 1x1 convs == per-(point,neighbor) dense layers (no activations, faithful)
    h1 = jnp.einsum('bnkc,oc->bnko', pos_enc, W1) + b1
    h2 = jnp.einsum('bnkc,oc->bnko', h1, Wl1) + bl1
    h3 = jnp.einsum('bnkc,oc->bnko', h2, Wl2) + bl2
    # max over neighbors (dim=3 in NCHW == k axis here)
    feature_encoded = jnp.max(h3, axis=2)  # [B, N, H]
    feature_encoded = jnp.transpose(feature_encoded, (0, 2, 1))  # [B, H, N]
    shortcut = jnp.einsum('bcn,oc->bon', feature, Wsc) + bsc[None, :, None]  # [B, D_OUT, N]
    return jnp.concatenate((feature_encoded, feature_encoded), axis=1) + shortcut

if __name__ == "__main__":
    import jax
    _d = setup_inputs()
    print(jax.jit(kernel)(*tuple(_d.values())))

</pallas_src>

<mosaic_0001>
#map = affine_map<(d0, d1) -> (0)>
#map1 = affine_map<(d0, d1) -> (0, 0)>
module attributes {stable_mosaic.version = 14 : i64} {
  func.func @k(%arg0: i32, %arg1: i32, %arg2: memref<131072xi32, #tpu.memory_space<hbm>>, %arg3: memref<8192x16xf32, #tpu.memory_space<hbm>>, %arg4: memref<131072x16xf32, #tpu.memory_space<hbm>>, %arg5: memref<4096xi32, #tpu.memory_space<vmem>>, %arg6: memref<4096x16xf32, #tpu.memory_space<vmem>>, %arg7: memref<!tpu.dma_semaphore, #tpu.memory_space<semaphore_mem>>) attributes {dimension_semantics = [#tpu.dimension_semantics<core_parallel>, #tpu.dimension_semantics<subcore_parallel>], iteration_bounds = array<i64: 2, 16>, scalar_prefetch = 0 : i64, scratch_operands = 3 : i64, tpu.core_type = #tpu.core_type<sc_vector_subcore>, window_params = [{transform_indices = #map}, {transform_indices = #map1}, {transform_indices = #map1}]} {
    %mul3A = arith.constant 2 : i32
    %mul3A_0 = arith.muli %arg1, %mul3A : i32
    %add3A = arith.addi %mul3A_0, %arg0 : i32
    %mul3A_1 = arith.constant 4096 : i32
    %mul3A_2 = arith.muli %add3A, %mul3A_1 : i32
    "tpu.region"() ({
      %run_scoped3A = tpu.sem_alloc : memref<!tpu.dma_semaphore, #tpu.memory_space<semaphore_mem>>
      %dma_start3A_7 = tpu.memref_slice %arg2[%mul3A_2] : memref<131072xi32, #tpu.memory_space<hbm>> -> memref<4096xi32, #tpu.memory_space<hbm>>
      %dma_start3A_8 = tpu.memref_slice %arg2[%mul3A_2] : memref<131072xi32, #tpu.memory_space<hbm>> -> memref<4096xi32, #tpu.memory_space<hbm>>
      tpu.enqueue_dma source(%dma_start3A_8 : memref<4096xi32, #tpu.memory_space<hbm>>) target(%arg5 : memref<4096xi32, #tpu.memory_space<vmem>>) target_semaphore(%run_scoped3A : memref<!tpu.dma_semaphore, #tpu.memory_space<semaphore_mem>>)
      %dma_wait3A_9 = tpu.memref_slice %arg2[%mul3A_2] : memref<131072xi32, #tpu.memory_space<hbm>> -> memref<4096xi32, #tpu.memory_space<hbm>>
      %dma_wait3A_10 = tpu.memref_slice %arg2[%mul3A_2] : memref<131072xi32, #tpu.memory_space<hbm>> -> memref<4096xi32, #tpu.memory_space<hbm>>
      tpu.wait_dma2 semaphore(%run_scoped3A : memref<!tpu.dma_semaphore, #tpu.memory_space<semaphore_mem>>) src(%dma_wait3A_10 : memref<4096xi32, #tpu.memory_space<hbm>>) dst(%arg5 : memref<4096xi32, #tpu.memory_space<vmem>>)
      tpu.yield
    }) : () -> ()
    %dma_start3A = arith.constant 0 : i32
    %dma_start3A_3 = arith.constant 0 : i32
    %dma_start3A_4 = tpu.memref_slice %arg3[%dma_start3A, %dma_start3A_3] : memref<8192x16xf32, #tpu.memory_space<hbm>> -> memref<8192x16xf32, #tpu.memory_space<hbm>>
    tpu.enqueue_indirect_dma source(%dma_start3A_4 : memref<8192x16xf32, #tpu.memory_space<hbm>>) target(%arg6 : memref<4096x16xf32, #tpu.memory_space<vmem>>) offsets(%arg5 : memref<4096xi32, #tpu.memory_space<vmem>>) semaphore(%arg7 : memref<!tpu.dma_semaphore, #tpu.memory_space<semaphore_mem>>)
    %dma_wait3A = arith.constant 0 : i32
    %dma_wait3A_5 = arith.constant 0 : i32
    %dma_wait3A_6 = tpu.memref_slice %arg3[%dma_wait3A, %dma_wait3A_5] : memref<8192x16xf32, #tpu.memory_space<hbm>> -> memref<8192x16xf32, #tpu.memory_space<hbm>>
    tpu.wait_indirect_dma semaphore(%arg7 : memref<!tpu.dma_semaphore, #tpu.memory_space<semaphore_mem>>) src(%dma_wait3A_6 : memref<8192x16xf32, #tpu.memory_space<hbm>>) dst(%arg6 : memref<4096x16xf32, #tpu.memory_space<vmem>>)
    "tpu.region"() ({
      %run_scoped3A = tpu.sem_alloc : memref<!tpu.dma_semaphore, #tpu.memory_space<semaphore_mem>>
      %dma_start3A_7 = arith.constant 0 : i32
      %dma_start3A_8 = tpu.memref_slice %arg4[%mul3A_2, %dma_start3A_7] : memref<131072x16xf32, #tpu.memory_space<hbm>> -> memref<4096x16xf32, #tpu.memory_space<hbm>>
      %dma_start3A_9 = arith.constant 0 : i32
      %dma_start3A_10 = tpu.memref_slice %arg4[%mul3A_2, %dma_start3A_9] : memref<131072x16xf32, #tpu.memory_space<hbm>> -> memref<4096x16xf32, #tpu.memory_space<hbm>>
      tpu.enqueue_dma source(%arg6 : memref<4096x16xf32, #tpu.memory_space<vmem>>) target(%dma_start3A_10 : memref<4096x16xf32, #tpu.memory_space<hbm>>) target_semaphore(%run_scoped3A : memref<!tpu.dma_semaphore, #tpu.memory_space<semaphore_mem>>)
      %dma_wait3A_11 = arith.constant 0 : i32
      %dma_wait3A_12 = tpu.memref_slice %arg4[%mul3A_2, %dma_wait3A_11] : memref<131072x16xf32, #tpu.memory_space<hbm>> -> memref<4096x16xf32, #tpu.memory_space<hbm>>
      %dma_wait3A_13 = arith.constant 0 : i32
      %dma_wait3A_14 = tpu.memref_slice %arg4[%mul3A_2, %dma_wait3A_13] : memref<131072x16xf32, #tpu.memory_space<hbm>> -> memref<4096x16xf32, #tpu.memory_space<hbm>>
      tpu.wait_dma2 semaphore(%run_scoped3A : memref<!tpu.dma_semaphore, #tpu.memory_space<semaphore_mem>>) src(%arg6 : memref<4096x16xf32, #tpu.memory_space<vmem>>) dst(%dma_wait3A_14 : memref<4096x16xf32, #tpu.memory_space<hbm>>)
      tpu.yield
    }) : () -> ()
    return
  }
}

module attributes {stable_mosaic.version = 14 : i64} {
  func.func @_topk_body(%arg0: i32, %arg1: i32, %arg2: memref<1x256x8xf32, #tpu.memory_space<vmem>>, %arg3: memref<1x8x4096xf32, #tpu.memory_space<vmem>>, %arg4: memref<1x256x16xi32, #tpu.memory_space<vmem>>) attributes {dimension_semantics = [#tpu.dimension_semantics<arbitrary>, #tpu.dimension_semantics<arbitrary>], iteration_bounds = array<i64: 2, 16>, scalar_prefetch = 0 : i64, scratch_operands = 0 : i64, tpu.core_type = #tpu.core_type<tc>, window_params = [{transform_indices = @transform_0, window_bounds = array<i64: 1, 256, 8>}, {transform_indices = @transform_1, window_bounds = array<i64: 1, 8, 4096>}, {transform_indices = @transform_2, window_bounds = array<i64: 1, 256, 16>}]} {
    %get3A = arith.constant 0 : index
    %get3A_0 = arith.constant 0 : index
    %get3A_1 = arith.constant 0 : index
    %get3A_2 = vector.load %arg2[%get3A, %get3A_0, %get3A_1] : memref<1x256x8xf32, #tpu.memory_space<vmem>>, vector<1x256x8xf32>
    %get3A_3 = vector.shape_cast %get3A_2 : vector<1x256x8xf32> to vector<256x8xf32>
    %get3A_4 = arith.constant 0 : index
    %get3A_5 = arith.constant 0 : index
    %get3A_6 = arith.constant 0 : index
    %get3A_7 = vector.load %arg3[%get3A_4, %get3A_5, %get3A_6] : memref<1x8x4096xf32, #tpu.memory_space<vmem>>, vector<1x8x4096xf32>
    %get3A_8 = vector.shape_cast %get3A_7 : vector<1x8x4096xf32> to vector<8x4096xf32>
    %dot_general3A = arith.constant dense<0.000000e+00> : vector<256x4096xf32>
    %dot_general3A_9 = tpu.matmul %get3A_3, %get3A_8, %dot_general3A {dimension_numbers = #tpu.dot_dimension_numbers<[1], [0], [0], [1], [0, 0, 1, 1], [], []>, transpose_lhs_hint = false} : vector<256x8xf32>, vector<8x4096xf32>, vector<256x4096xf32> -> vector<256x4096xf32>
    %mul3A = arith.mulf %get3A_3, %get3A_3 : vector<256x8xf32>
    %reduce_sum3A = arith.constant dense<0.000000e+00> : vector<256xf32>
    %reduce_sum3A_10 = vector.multi_reduction <add>, %mul3A, %reduce_sum3A [1] : vector<256x8xf32> to vector<256xf32>
    %broadcast_in_dim3A = vector.shape_cast %reduce_sum3A_10 : vector<256xf32> to vector<256x1xf32>
    %mul3A_11 = arith.mulf %get3A_8, %get3A_8 : vector<8x4096xf32>
    %reduce_sum3A_12 = arith.constant dense<0.000000e+00> : vector<4096xf32>
    %reduce_sum3A_13 = vector.multi_reduction <add>, %mul3A_11, %reduce_sum3A_12 [0] : vector<8x4096xf32> to vector<4096xf32>
    %broadcast_in_dim3A_14 = vector.shape_cast %reduce_sum3A_13 : vector<4096xf32> to vector<1x4096xf32>
    %mul3A_15 = arith.constant -2.000000e+00 : f32
    %mul3A_16 = vector.broadcast %mul3A_15 : f32 to vector<256x4096xf32>
    %mul3A_17 = arith.mulf %mul3A_16, %dot_general3A_9 : vector<256x4096xf32>
    %add3A = vector.broadcast %broadcast_in_dim3A : vector<256x1xf32> to vector<256x4096xf32>
    %add3A_18 = arith.addf %mul3A_17, %add3A : vector<256x4096xf32>
    %add3A_19 = vector.broadcast %broadcast_in_dim3A_14 : vector<1x4096xf32> to vector<256x4096xf32>
    %add3A_20 = arith.addf %add3A_18, %add3A_19 : vector<256x4096xf32>
    %neg3A = arith.constant 0.000000e+00 : f32
    %neg3A_21 = vector.broadcast %neg3A : f32 to vector<256x4096xf32>
    %neg3A_22 = arith.subf %neg3A_21, %add3A_20 : vector<256x4096xf32>
    %iota3A = tpu.iota {dimensions = array<i32: 1>} : vector<256x4096xi32>
    %argmax3A = tpu.reduce_index %neg3A_22 {axis = 1 : i32, kind = #tpu.reduction_kind<arg_max>} : vector<256x4096xf32> -> vector<256xi32>
    %broadcast_in_dim3A_23 = vector.shape_cast %argmax3A : vector<256xi32> to vector<256x1xi32>
    %eq3A = vector.broadcast %broadcast_in_dim3A_23 : vector<256x1xi32> to vector<256x4096xi32>
    %eq3A_24 = arith.cmpi eq, %iota3A, %eq3A : vector<256x4096xi32>
    %jit3A = arith.constant 0xFF800000 : f32
    %broadcast_in_dim3A_25 = vector.broadcast %jit3A : f32 to vector<256x4096xf32>
    %select_n3A = arith.select %eq3A_24, %broadcast_in_dim3A_25, %neg3A_22 : vector<256x4096xi1>, vector<256x4096xf32>
    %argmax3A_26 = tpu.reduce_index %select_n3A {axis = 1 : i32, kind = #tpu.reduction_kind<arg_max>} : vector<256x4096xf32> -> vector<256xi32>
    %broadcast_in_dim3A_27 = vector.shape_cast %argmax3A_26 : vector<256xi32> to vector<256x1xi32>
    %eq3A_28 = vector.broadcast %broadcast_in_dim3A_27 : vector<256x1xi32> to vector<256x4096xi32>
    %eq3A_29 = arith.cmpi eq, %iota3A, %eq3A_28 : vector<256x4096xi32>
    %jit3A_30 = arith.constant 0xFF800000 : f32
    %broadcast_in_dim3A_31 = vector.broadcast %jit3A_30 : f32 to vector<256x4096xf32>
    %select_n3A_32 = arith.select %eq3A_29, %broadcast_in_dim3A_31, %select_n3A : vector<256x4096xi1>, vector<256x4096xf32>
    %argmax3A_33 = tpu.reduce_index %select_n3A_32 {axis = 1 : i32, kind = #tpu.reduction_kind<arg_max>} : vector<256x4096xf32> -> vector<256xi32>
    %broadcast_in_dim3A_34 = vector.shape_cast %argmax3A_33 : vector<256xi32> to vector<256x1xi32>
    %eq3A_35 = vector.broadcast %broadcast_in_dim3A_34 : vector<256x1xi32> to vector<256x4096xi32>
    %eq3A_36 = arith.cmpi eq, %iota3A, %eq3A_35 : vector<256x4096xi32>
    %jit3A_37 = arith.constant 0xFF800000 : f32
    %broadcast_in_dim3A_38 = vector.broadcast %jit3A_37 : f32 to vector<256x4096xf32>
    %select_n3A_39 = arith.select %eq3A_36, %broadcast_in_dim3A_38, %select_n3A_32 : vector<256x4096xi1>, vector<256x4096xf32>
    %argmax3A_40 = tpu.reduce_index %select_n3A_39 {axis = 1 : i32, kind = #tpu.reduction_kind<arg_max>} : vector<256x4096xf32> -> vector<256xi32>
    %broadcast_in_dim3A_41 = vector.shape_cast %argmax3A_40 : vector<256xi32> to vector<256x1xi32>
    %eq3A_42 = vector.broadcast %broadcast_in_dim3A_41 : vector<256x1xi32> to vector<256x4096xi32>
    %eq3A_43 = arith.cmpi eq, %iota3A, %eq3A_42 : vector<256x4096xi32>
    %jit3A_44 = arith.constant 0xFF800000 : f32
    %broadcast_in_dim3A_45 = vector.broadcast %jit3A_44 : f32 to vector<256x4096xf32>
    %select_n3A_46 = arith.select %eq3A_43, %broadcast_in_dim3A_45, %select_n3A_39 : vector<256x4096xi1>, vector<256x4096xf32>
    %argmax3A_47 = tpu.reduce_index %select_n3A_46 {axis = 1 : i32, kind = #tpu.reduction_kind<arg_max>} : vector<256x4096xf32> -> vector<256xi32>
    %broadcast_in_dim3A_48 = vector.shape_cast %argmax3A_47 : vector<256xi32> to vector<256x1xi32>
    %eq3A_49 = vector.broadcast %broadcast_in_dim3A_48 : vector<256x1xi32> to vector<256x4096xi32>
    %eq3A_50 = arith.cmpi eq, %iota3A, %eq3A_49 : vector<256x4096xi32>
    %jit3A_51 = arith.constant 0xFF800000 : f32
    %broadcast_in_dim3A_52 = vector.broadcast %jit3A_51 : f32 to vector<256x4096xf32>
    %select_n3A_53 = arith.select %eq3A_50, %broadcast_in_dim3A_52, %select_n3A_46 : vector<256x4096xi1>, vector<256x4096xf32>
    %argmax3A_54 = tpu.reduce_index %select_n3A_53 {axis = 1 : i32, kind = #tpu.reduction_kind<arg_max>} : vector<256x4096xf32> -> vector<256xi32>
    %broadcast_in_dim3A_55 = vector.shape_cast %argmax3A_54 : vector<256xi32> to vector<256x1xi32>
    %eq3A_56 = vector.broadcast %broadcast_in_dim3A_55 : vector<256x1xi32> to vector<256x4096xi32>
    %eq3A_57 = arith.cmpi eq, %iota3A, %eq3A_56 : vector<256x4096xi32>
    %jit3A_58 = arith.constant 0xFF800000 : f32
    %broadcast_in_dim3A_59 = vector.broadcast %jit3A_58 : f32 to vector<256x4096xf32>
    %select_n3A_60 = arith.select %eq3A_57, %broadcast_in_dim3A_59, %select_n3A_53 : vector<256x4096xi1>, vector<256x4096xf32>
    %argmax3A_61 = tpu.reduce_index %select_n3A_60 {axis = 1 : i32, kind = #tpu.reduction_kind<arg_max>} : vector<256x4096xf32> -> vector<256xi32>
    %broadcast_in_dim3A_62 = vector.shape_cast %argmax3A_61 : vector<256xi32> to vector<256x1xi32>
    %eq3A_63 = vector.broadcast %broadcast_in_dim3A_62 : vector<256x1xi32> to vector<256x4096xi32>
    %eq3A_64 = arith.cmpi eq, %iota3A, %eq3A_63 : vector<256x4096xi32>
    %jit3A_65 = arith.constant 0xFF800000 : f32
    %broadcast_in_dim3A_66 = vector.broadcast %jit3A_65 : f32 to vector<256x4096xf32>
    %select_n3A_67 = arith.select %eq3A_64, %broadcast_in_dim3A_66, %select_n3A_60 : vector<256x4096xi1>, vector<256x4096xf32>
    %argmax3A_68 = tpu.reduce_index %select_n3A_67 {axis = 1 : i32, kind = #tpu.reduction_kind<arg_max>} : vector<256x4096xf32> -> vector<256xi32>
    %broadcast_in_dim3A_69 = vector.shape_cast %argmax3A_68 : vector<256xi32> to vector<256x1xi32>
    %eq3A_70 = vector.broadcast %broadcast_in_dim3A_69 : vector<256x1xi32> to vector<256x4096xi32>
    %eq3A_71 = arith.cmpi eq, %iota3A, %eq3A_70 : vector<256x4096xi32>
    %jit3A_72 = arith.constant 0xFF800000 : f32
    %broadcast_in_dim3A_73 = vector.broadcast %jit3A_72 : f32 to vector<256x4096xf32>
    %select_n3A_74 = arith.select %eq3A_71, %broadcast_in_dim3A_73, %select_n3A_67 : vector<256x4096xi1>, vector<256x4096xf32>
    %argmax3A_75 = tpu.reduce_index %select_n3A_74 {axis = 1 : i32, kind = #tpu.reduction_kind<arg_max>} : vector<256x4096xf32> -> vector<256xi32>
    %broadcast_in_dim3A_76 = vector.shape_cast %argmax3A_75 : vector<256xi32> to vector<256x1xi32>
    %eq3A_77 = vector.broadcast %broadcast_in_dim3A_76 : vector<256x1xi32> to vector<256x4096xi32>
    %eq3A_78 = arith.cmpi eq, %iota3A, %eq3A_77 : vector<256x4096xi32>
    %jit3A_79 = arith.constant 0xFF800000 : f32
    %broadcast_in_dim3A_80 = vector.broadcast %jit3A_79 : f32 to vector<256x4096xf32>
    %select_n3A_81 = arith.select %eq3A_78, %broadcast_in_dim3A_80, %select_n3A_74 : vector<256x4096xi1>, vector<256x4096xf32>
    %argmax3A_82 = tpu.reduce_index %select_n3A_81 {axis = 1 : i32, kind = #tpu.reduction_kind<arg_max>} : vector<256x4096xf32> -> vector<256xi32>
    %broadcast_in_dim3A_83 = vector.shape_cast %argmax3A_82 : vector<256xi32> to vector<256x1xi32>
    %eq3A_84 = vector.broadcast %broadcast_in_dim3A_83 : vector<256x1xi32> to vector<256x4096xi32>
    %eq3A_85 = arith.cmpi eq, %iota3A, %eq3A_84 : vector<256x4096xi32>
    %jit3A_86 = arith.constant 0xFF800000 : f32
    %broadcast_in_dim3A_87 = vector.broadcast %jit3A_86 : f32 to vector<256x4096xf32>
    %select_n3A_88 = arith.select %eq3A_85, %broadcast_in_dim3A_87, %select_n3A_81 : vector<256x4096xi1>, vector<256x4096xf32>
    %argmax3A_89 = tpu.reduce_index %select_n3A_88 {axis = 1 : i32, kind = #tpu.reduction_kind<arg_max>} : vector<256x4096xf32> -> vector<256xi32>
    %broadcast_in_dim3A_90 = vector.shape_cast %argmax3A_89 : vector<256xi32> to vector<256x1xi32>
    %eq3A_91 = vector.broadcast %broadcast_in_dim3A_90 : vector<256x1xi32> to vector<256x4096xi32>
    %eq3A_92 = arith.cmpi eq, %iota3A, %eq3A_91 : vector<256x4096xi32>
    %jit3A_93 = arith.constant 0xFF800000 : f32
    %broadcast_in_dim3A_94 = vector.broadcast %jit3A_93 : f32 to vector<256x4096xf32>
    %select_n3A_95 = arith.select %eq3A_92, %broadcast_in_dim3A_94, %select_n3A_88 : vector<256x4096xi1>, vector<256x4096xf32>
    %argmax3A_96 = tpu.reduce_index %select_n3A_95 {axis = 1 : i32, kind = #tpu.reduction_kind<arg_max>} : vector<256x4096xf32> -> vector<256xi32>
    %broadcast_in_dim3A_97 = vector.shape_cast %argmax3A_96 : vector<256xi32> to vector<256x1xi32>
    %eq3A_98 = vector.broadcast %broadcast_in_dim3A_97 : vector<256x1xi32> to vector<256x4096xi32>
    %eq3A_99 = arith.cmpi eq, %iota3A, %eq3A_98 : vector<256x4096xi32>
    %jit3A_100 = arith.constant 0xFF800000 : f32
    %broadcast_in_dim3A_101 = vector.broadcast %jit3A_100 : f32 to vector<256x4096xf32>
    %select_n3A_102 = arith.select %eq3A_99, %broadcast_in_dim3A_101, %select_n3A_95 : vector<256x4096xi1>, vector<256x4096xf32>
    %argmax3A_103 = tpu.reduce_index %select_n3A_102 {axis = 1 : i32, kind = #tpu.reduction_kind<arg_max>} : vector<256x4096xf32> -> vector<256xi32>
    %broadcast_in_dim3A_104 = vector.shape_cast %argmax3A_103 : vector<256xi32> to vector<256x1xi32>
    %eq3A_105 = vector.broadcast %broadcast_in_dim3A_104 : vector<256x1xi32> to vector<256x4096xi32>
    %eq3A_106 = arith.cmpi eq, %iota3A, %eq3A_105 : vector<256x4096xi32>
    %jit3A_107 = arith.constant 0xFF800000 : f32
    %broadcast_in_dim3A_108 = vector.broadcast %jit3A_107 : f32 to vector<256x4096xf32>
    %select_n3A_109 = arith.select %eq3A_106, %broadcast_in_dim3A_108, %select_n3A_102 : vector<256x4096xi1>, vector<256x4096xf32>
    %argmax3A_110 = tpu.reduce_index %select_n3A_109 {axis = 1 : i32, kind = #tpu.reduction_kind<arg_max>} : vector<256x4096xf32> -> vector<256xi32>
    %broadcast_in_dim3A_111 = vector.shape_cast %argmax3A_110 : vector<256xi32> to vector<256x1xi32>
    %eq3A_112 = vector.broadcast %broadcast_in_dim3A_111 : vector<256x1xi32> to vector<256x4096xi32>
    %eq3A_113 = arith.cmpi eq, %iota3A, %eq3A_112 : vector<256x4096xi32>
    %jit3A_114 = arith.constant 0xFF800000 : f32
    %broadcast_in_dim3A_115 = vector.broadcast %jit3A_114 : f32 to vector<256x4096xf32>
    %select_n3A_116 = arith.select %eq3A_113, %broadcast_in_dim3A_115, %select_n3A_109 : vector<256x4096xi1>, vector<256x4096xf32>
    %argmax3A_117 = tpu.reduce_index %select_n3A_116 {axis = 1 : i32, kind = #tpu.reduction_kind<arg_max>} : vector<256x4096xf32> -> vector<256xi32>
    %broadcast_in_dim3A_118 = vector.shape_cast %argmax3A_117 : vector<256xi32> to vector<256x1xi32>
    %eq3A_119 = vector.broadcast %broadcast_in_dim3A_118 : vector<256x1xi32> to vector<256x4096xi32>
    %eq3A_120 = arith.cmpi eq, %iota3A, %eq3A_119 : vector<256x4096xi32>
    %jit3A_121 = arith.constant 0xFF800000 : f32
    %broadcast_in_dim3A_122 = vector.broadcast %jit3A_121 : f32 to vector<256x4096xf32>
    %select_n3A_123 = arith.select %eq3A_120, %broadcast_in_dim3A_122, %select_n3A_116 : vector<256x4096xi1>, vector<256x4096xf32>
    %argmax3A_124 = tpu.reduce_index %select_n3A_123 {axis = 1 : i32, kind = #tpu.reduction_kind<arg_max>} : vector<256x4096xf32> -> vector<256xi32>
    %broadcast_in_dim3A_125 = vector.shape_cast %argmax3A_124 : vector<256xi32> to vector<256x1xi32>
    %concatenate3A = tpu.concatenate %broadcast_in_dim3A_23, %broadcast_in_dim3A_27, %broadcast_in_dim3A_34, %broadcast_in_dim3A_41, %broadcast_in_dim3A_48, %broadcast_in_dim3A_55, %broadcast_in_dim3A_62, %broadcast_in_dim3A_69, %broadcast_in_dim3A_76, %broadcast_in_dim3A_83, %broadcast_in_dim3A_90, %broadcast_in_dim3A_97, %broadcast_in_dim3A_104, %broadcast_in_dim3A_111, %broadcast_in_dim3A_118, %broadcast_in_dim3A_125 in 1 : vector<256x1xi32>, vector<256x1xi32>, vector<256x1xi32>, vector<256x1xi32>, vector<256x1xi32>, vector<256x1xi32>, vector<256x1xi32>, vector<256x1xi32>, vector<256x1xi32>, vector<256x1xi32>, vector<256x1xi32>, vector<256x1xi32>, vector<256x1xi32>, vector<256x1xi32>, vector<256x1xi32>, vector<256x1xi32> -> vector<256x16xi32>
    %mul3A_126 = arith.constant 4096 : i32
    %mul3A_127 = arith.muli %arg0, %mul3A_126 : i32
    %add3A_128 = vector.broadcast %mul3A_127 : i32 to vector<256x16xi32>
    %add3A_129 = arith.addi %concatenate3A, %add3A_128 : vector<256x16xi32>
    %swap3A = arith.constant 0 : index
    %swap3A_130 = arith.constant 0 : index
    %swap3A_131 = arith.constant 0 : index
    %swap3A_132 = vector.load %arg4[%swap3A, %swap3A_130, %swap3A_131] : memref<1x256x16xi32, #tpu.memory_space<vmem>>, vector<1x256x16xi32>
    %swap3A_133 = vector.shape_cast %swap3A_132 : vector<1x256x16xi32> to vector<256x16xi32>
    %swap3A_134 = vector.shape_cast %add3A_129 : vector<256x16xi32> to vector<1x256x16xi32>
    tpu.vector_store %arg4[%swap3A, %swap3A_130, %swap3A_131], %swap3A_134 {strides = array<i32>} : memref<1x256x16xi32, #tpu.memory_space<vmem>>, vector<1x256x16xi32>,
    return
  }
  func.func @transform_0(%arg0: i32, %arg1: i32) -> (i32, i32, i32) {
    %c0_i32 = arith.constant 0 : i32
    %c0_i32_0 = arith.constant 0 : i32
    return %arg0, %arg1, %c0_i32 : i32, i32, i32
  }
  func.func @transform_1(%arg0: i32, %arg1: i32) -> (i32, i32, i32) {
    %c0_i32 = arith.constant 0 : i32
    %c0_i32_0 = arith.constant 0 : i32
    %c0_i32_1 = arith.constant 0 : i32
    return %arg0, %c0_i32, %c0_i32_0 : i32, i32, i32
  }
  func.func @transform_2(%arg0: i32, %arg1: i32) -> (i32, i32, i32) {
    %c0_i32 = arith.constant 0 : i32
    %c0_i32_0 = arith.constant 0 : i32
    return %arg0, %arg1, %c0_i32 : i32, i32, i32
  }
}

module attributes {stable_mosaic.version = 14 : i64} {
  func.func @_encode_body(%arg0: i32, %arg1: i32, %arg2: memref<1x8192x16xf32, #tpu.memory_space<vmem>>, %arg3: memref<1x512x16xf32, #tpu.memory_space<vmem>>, %arg4: memref<1x128x512xf32, #tpu.memory_space<vmem>>, %arg5: memref<16x128xf32, #tpu.memory_space<vmem>>, %arg6: memref<128x128xf32, #tpu.memory_space<vmem>>, %arg7: memref<128x128xf32, #tpu.memory_space<vmem>>, %arg8: memref<1x128xf32, #tpu.memory_space<vmem>>, %arg9: memref<1x128xf32, #tpu.memory_space<vmem>>, %arg10: memref<1x128xf32, #tpu.memory_space<vmem>>, %arg11: memref<256x128xf32, #tpu.memory_space<vmem>>, %arg12: memref<256x1xf32, #tpu.memory_space<vmem>>, %arg13: memref<1x256x512xf32, #tpu.memory_space<vmem>>) attributes {dimension_semantics = [#tpu.dimension_semantics<arbitrary>, #tpu.dimension_semantics<arbitrary>], iteration_bounds = array<i64: 2, 8>, scalar_prefetch = 0 : i64, scratch_operands = 0 : i64, tpu.core_type = #tpu.core_type<tc>, window_params = [{transform_indices = @transform_0, window_bounds = array<i64: 1, 8192, 16>}, {transform_indices = @transform_1, window_bounds = array<i64: 1, 512, 16>}, {transform_indices = @transform_2, window_bounds = array<i64: 1, 128, 512>}, {pipeline_mode = #tpu.pipeline_mode<synchronous>, transform_indices = @transform_3, window_bounds = array<i64: 16, 128>}, {pipeline_mode = #tpu.pipeline_mode<synchronous>, transform_indices = @transform_4, window_bounds = array<i64: 128, 128>}, {pipeline_mode = #tpu.pipeline_mode<synchronous>, transform_indices = @transform_5, window_bounds = array<i64: 128, 128>}, {pipeline_mode = #tpu.pipeline_mode<synchronous>, transform_indices = @transform_6, window_bounds = array<i64: 1, 128>}, {pipeline_mode = #tpu.pipeline_mode<synchronous>, transform_indices = @transform_7, window_bounds = array<i64: 1, 128>}, {pipeline_mode = #tpu.pipeline_mode<synchronous>, transform_indices = @transform_8, window_bounds = array<i64: 1, 128>}, {pipeline_mode = #tpu.pipeline_mode<synchronous>, transform_indices = @transform_9, window_bounds = array<i64: 256, 128>}, {pipeline_mode = #tpu.pipeline_mode<synchronous>, transform_indices = @transform_10, window_bounds = array<i64: 256, 1>}, {transform_indices = @transform_11, window_bounds = array<i64: 1, 256, 512>}]} {
    %get3A = arith.constant 0 : index
    %get3A_0 = arith.constant 0 : index
    %get3A_1 = vector.load %arg6[%get3A, %get3A_0] : memref<128x128xf32, #tpu.memory_space<vmem>>, vector<128x128xf32>
    %get3A_2 = arith.constant 0 : index
    %get3A_3 = arith.constant 0 : index
    %get3A_4 = vector.load %arg7[%get3A_2, %get3A_3] : memref<128x128xf32, #tpu.memory_space<vmem>>, vector<128x128xf32>
    %get3A_5 = arith.constant 0 : index
    %get3A_6 = arith.constant 0 : index
    %get3A_7 = vector.load %arg5[%get3A_5, %get3A_6] : memref<16x128xf32, #tpu.memory_space<vmem>>, vector<16x128xf32>
    %dot_general3A = arith.constant dense<0.000000e+00> : vector<16x128xf32>
    %dot_general3A_8 = tpu.matmul %get3A_7, %get3A_1, %dot_general3A {dimension_numbers = #tpu.dot_dimension_numbers<[1], [0], [0], [1], [0, 0, 1, 1], [], []>, transpose_lhs_hint = false} : vector<16x128xf32>, vector<128x128xf32>, vector<16x128xf32> -> vector<16x128xf32>
    %dot_general3A_9 = arith.constant dense<0.000000e+00> : vector<16x128xf32>
    %dot_general3A_10 = tpu.matmul %dot_general3A_8, %get3A_4, %dot_general3A_9 {dimension_numbers = #tpu.dot_dimension_numbers<[1], [0], [0], [1], [0, 0, 1, 1], [], []>, transpose_lhs_hint = false} : vector<16x128xf32>, vector<128x128xf32>, vector<16x128xf32> -> vector<16x128xf32>
    %get3A_11 = arith.constant 0 : index
    %get3A_12 = arith.constant 0 : index
    %get3A_13 = vector.load %arg8[%get3A_11, %get3A_12] : memref<1x128xf32, #tpu.memory_space<vmem>>, vector<1x128xf32>
    %dot_general3A_14 = arith.constant dense<0.000000e+00> : vector<1x128xf32>
    %dot_general3A_15 = tpu.matmul %get3A_13, %get3A_1, %dot_general3A_14 {dimension_numbers = #tpu.dot_dimension_numbers<[1], [0], [0], [1], [0, 0, 1, 1], [], []>, transpose_lhs_hint = false} : vector<1x128xf32>, vector<128x128xf32>, vector<1x128xf32> -> vector<1x128xf32>
    %get3A_16 = arith.constant 0 : index
    %get3A_17 = arith.constant 0 : index
    %get3A_18 = vector.load %arg9[%get3A_16, %get3A_17] : memref<1x128xf32, #tpu.memory_space<vmem>>, vector<1x128xf32>
    %add3A = arith.addf %dot_general3A_15, %get3A_18 : vector<1x128xf32>
    %dot_general3A_19 = arith.constant dense<0.000000e+00> : vector<1x128xf32>
    %dot_general3A_20 = tpu.matmul %add3A, %get3A_4, %dot_general3A_19 {dimension_numbers = #tpu.dot_dimension_numbers<[1], [0], [0], [1], [0, 0, 1, 1], [], []>, transpose_lhs_hint = false} : vector<1x128xf32>, vector<128x128xf32>, vector<1x128xf32> -> vector<1x128xf32>
    %get3A_21 = arith.constant 0 : index
    %get3A_22 = arith.constant 0 : index
    %get3A_23 = vector.load %arg10[%get3A_21, %get3A_22] : memref<1x128xf32, #tpu.memory_space<vmem>>, vector<1x128xf32>
    %add3A_24 = arith.addf %dot_general3A_20, %get3A_23 : vector<1x128xf32>
    %slice3A = vector.extract_strided_slice %dot_general3A_10 {offsets = [0, 0], sizes = [3, 128], strides = [1, 1]} : vector<16x128xf32> to vector<3x128xf32>
    %slice3A_25 = vector.extract_strided_slice %dot_general3A_10 {offsets = [3, 0], sizes = [3, 128], strides = [1, 1]} : vector<16x128xf32> to vector<3x128xf32>
    %slice3A_26 = vector.extract_strided_slice %dot_general3A_10 {offsets = [6, 0], sizes = [3, 128], strides = [1, 1]} : vector<16x128xf32> to vector<3x128xf32>
    %slice3A_27 = vector.extract_strided_slice %dot_general3A_10 {offsets = [9, 0], sizes = [1, 128], strides = [1, 1]} : vector<16x128xf32> to vector<1x128xf32>
    %add3A_28 = arith.addf %slice3A_25, %slice3A_26 : vector<3x128xf32>
    %broadcast_in_dim3A = arith.constant 0.000000e+00 : f32
    %broadcast_in_dim3A_29 = vector.broadcast %broadcast_in_dim3A : f32 to vector<13x128xf32>
    %concatenate3A = tpu.concatenate %add3A_28, %broadcast_in_dim3A_29 in 0 : vector<3x128xf32>, vector<13x128xf32> -> vector<16x128xf32>
    %sub3A = arith.subf %slice3A, %slice3A_26 : vector<3x128xf32>
    %broadcast_in_dim3A_30 = arith.constant 0.000000e+00 : f32
    %broadcast_in_dim3A_31 = vector.broadcast %broadcast_in_dim3A_30 : f32 to vector<13x128xf32>
    %concatenate3A_32 = tpu.concatenate %sub3A, %broadcast_in_dim3A_31 in 0 : vector<3x128xf32>, vector<13x128xf32> -> vector<16x128xf32>
    %get3A_33 = arith.constant 0 : index
    %get3A_34 = arith.constant 0 : index
    %get3A_35 = arith.constant 0 : index
    %get3A_36 = vector.load %arg2[%get3A_33, %get3A_34, %get3A_35] : memref<1x8192x16xf32, #tpu.memory_space<vmem>>, vector<1x8192x16xf32>
    %get3A_37 = vector.shape_cast %get3A_36 : vector<1x8192x16xf32> to vector<8192x16xf32>
    %get3A_38 = arith.constant 0 : index
    %get3A_39 = arith.constant 0 : index
    %get3A_40 = arith.constant 0 : index
    %get3A_41 = vector.load %arg3[%get3A_38, %get3A_39, %get3A_40] : memref<1x512x16xf32, #tpu.memory_space<vmem>>, vector<1x512x16xf32>
    %get3A_42 = vector.shape_cast %get3A_41 : vector<1x512x16xf32> to vector<512x16xf32>
    %broadcast_in_dim3A_43 = vector.shape_cast %get3A_42 : vector<512x16xf32> to vector<512x1x16xf32>
    %broadcast_in_dim3A_44 = vector.shape_cast %broadcast_in_dim3A_43 : vector<512x1x16xf32> to vector<512x1x16xf32>
    %broadcast_in_dim3A_45 = vector.broadcast %broadcast_in_dim3A_44 : vector<512x1x16xf32> to vector<512x16x16xf32>
    %reshape3A = vector.shape_cast %broadcast_in_dim3A_45 : vector<512x16x16xf32> to vector<8192x16xf32>
    %sub3A_46 = arith.subf %get3A_37, %reshape3A : vector<8192x16xf32>
    %mul3A = arith.mulf %sub3A_46, %sub3A_46 : vector<8192x16xf32>
    %reduce_sum3A = arith.constant dense<0.000000e+00> : vector<8192xf32>
    %reduce_sum3A_47 = vector.multi_reduction <add>, %mul3A, %reduce_sum3A [1] : vector<8192x16xf32> to vector<8192xf32>
    %broadcast_in_dim3A_48 = vector.shape_cast %reduce_sum3A_47 : vector<8192xf32> to vector<8192x1xf32>
    %dot_general3A_49 = arith.constant dense<0.000000e+00> : vector<8192x128xf32>
    %dot_general3A_50 = tpu.matmul %get3A_37, %concatenate3A, %dot_general3A_49 {dimension_numbers = #tpu.dot_dimension_numbers<[1], [0], [0], [1], [0, 0, 1, 1], [], []>, transpose_lhs_hint = false} : vector<8192x16xf32>, vector<16x128xf32>, vector<8192x128xf32> -> vector<8192x128xf32>
    %mul3A_51 = vector.broadcast %broadcast_in_dim3A_48 : vector<8192x1xf32> to vector<8192x128xf32>
    %mul3A_52 = vector.broadcast %slice3A_27 : vector<1x128xf32> to vector<8192x128xf32>
    %mul3A_53 = arith.mulf %mul3A_51, %mul3A_52 : vector<8192x128xf32>
    %add3A_54 = arith.addf %dot_general3A_50, %mul3A_53 : vector<8192x128xf32>
    %reshape3A_55 = vector.shape_cast %add3A_54 : vector<8192x128xf32> to vector<512x16x128xf32>
    %reduce_max3A = arith.constant dense<0xFF800000> : vector<512x128xf32>
    %reduce_max3A_56 = vector.multi_reduction <maximumf>, %reshape3A_55, %reduce_max3A [1] : vector<512x16x128xf32> to vector<512x128xf32>
    %dot_general3A_57 = arith.constant dense<0.000000e+00> : vector<512x128xf32>
    %dot_general3A_58 = tpu.matmul %get3A_42, %concatenate3A_32, %dot_general3A_57 {dimension_numbers = #tpu.dot_dimension_numbers<[1], [0], [0], [1], [0, 0, 1, 1], [], []>, transpose_lhs_hint = false} : vector<512x16xf32>, vector<16x128xf32>, vector<512x128xf32> -> vector<512x128xf32>
    %add3A_59 = arith.addf %reduce_max3A_56, %dot_general3A_58 : vector<512x128xf32>
    %add3A_60 = vector.broadcast %add3A_24 : vector<1x128xf32> to vector<512x128xf32>
    %add3A_61 = arith.addf %add3A_59, %add3A_60 : vector<512x128xf32>
    %transpose3A = tpu.transpose %add3A_61, [1, 0] : vector<512x128xf32> -> vector<128x512xf32>
    %get3A_62 = arith.constant 0 : index
    %get3A_63 = arith.constant 0 : index
    %get3A_64 = vector.load %arg11[%get3A_62, %get3A_63] : memref<256x128xf32, #tpu.memory_space<vmem>>, vector<256x128xf32>
    %get3A_65 = arith.constant 0 : index
    %get3A_66 = arith.constant 0 : index
    %get3A_67 = arith.constant 0 : index
    %get3A_68 = vector.load %arg4[%get3A_65, %get3A_66, %get3A_67] : memref<1x128x512xf32, #tpu.memory_space<vmem>>, vector<1x128x512xf32>
    %get3A_69 = vector.shape_cast %get3A_68 : vector<1x128x512xf32> to vector<128x512xf32>
    %dot_general3A_70 = arith.constant dense<0.000000e+00> : vector<256x512xf32>
    %dot_general3A_71 = tpu.matmul %get3A_64, %get3A_69, %dot_general3A_70 {dimension_numbers = #tpu.dot_dimension_numbers<[1], [0], [0], [1], [0, 0, 1, 1], [], []>, transpose_lhs_hint = false} : vector<256x128xf32>, vector<128x512xf32>, vector<256x512xf32> -> vector<256x512xf32>
    %get3A_72 = arith.constant 0 : index
    %get3A_73 = arith.constant 0 : index
    %get3A_74 = vector.load %arg12[%get3A_72, %get3A_73] : memref<256x1xf32, #tpu.memory_space<vmem>>, vector<256x1xf32>
    %add3A_75 = vector.broadcast %get3A_74 : vector<256x1xf32> to vector<256x512xf32>
    %add3A_76 = arith.addf %dot_general3A_71, %add3A_75 : vector<256x512xf32>
    %concatenate3A_77 = tpu.concatenate %transpose3A, %transpose3A in 0 : vector<128x512xf32>, vector<128x512xf32> -> vector<256x512xf32>
    %add3A_78 = arith.addf %concatenate3A_77, %add3A_76 : vector<256x512xf32>
    %swap3A = arith.constant 0 : index
    %swap3A_79 = arith.constant 0 : index
    %swap3A_80 = arith.constant 0 : index
    %swap3A_81 = vector.load %arg13[%swap3A, %swap3A_79, %swap3A_80] : memref<1x256x512xf32, #tpu.memory_space<vmem>>, vector<1x256x512xf32>
    %swap3A_82 = vector.shape_cast %swap3A_81 : vector<1x256x512xf32> to vector<256x512xf32>
    %swap3A_83 = vector.shape_cast %add3A_78 : vector<256x512xf32> to vector<1x256x512xf32>
    tpu.vector_store %arg13[%swap3A, %swap3A_79, %swap3A_80], %swap3A_83 {strides = array<i32>} : memref<1x256x512xf32, #tpu.memory_space<vmem>>, vector<1x256x512xf32>,
    return
  }
  func.func @transform_0(%arg0: i32, %arg1: i32) -> (i32, i32, i32) {
    %c0_i32 = arith.constant 0 : i32
    %c0_i32_0 = arith.constant 0 : i32
    return %arg0, %arg1, %c0_i32 : i32, i32, i32
  }
  func.func @transform_1(%arg0: i32, %arg1: i32) -> (i32, i32, i32) {
    %c0_i32 = arith.constant 0 : i32
    %c0_i32_0 = arith.constant 0 : i32
    return %arg0, %arg1, %c0_i32 : i32, i32, i32
  }
  func.func @transform_2(%arg0: i32, %arg1: i32) -> (i32, i32, i32) {
    %c0_i32 = arith.constant 0 : i32
    %c0_i32_0 = arith.constant 0 : i32
    return %arg0, %c0_i32, %arg1 : i32, i32, i32
  }
  func.func @transform_3(%arg0: i32, %arg1: i32) -> (i32, i32) {
    %c0_i32 = arith.constant 0 : i32
    %c0_i32_0 = arith.constant 0 : i32
    %c0_i32_1 = arith.constant 0 : i32
    return %c0_i32, %c0_i32_0 : i32, i32
  }
  func.func @transform_4(%arg0: i32, %arg1: i32) -> (i32, i32) {
    %c0_i32 = arith.constant 0 : i32
    %c0_i32_0 = arith.constant 0 : i32
    %c0_i32_1 = arith.constant 0 : i32
    return %c0_i32, %c0_i32_0 : i32, i32
  }
  func.func @transform_5(%arg0: i32, %arg1: i32) -> (i32, i32) {
    %c0_i32 = arith.constant 0 : i32
    %c0_i32_0 = arith.constant 0 : i32
    %c0_i32_1 = arith.constant 0 : i32
    return %c0_i32, %c0_i32_0 : i32, i32
  }
  func.func @transform_6(%arg0: i32, %arg1: i32) -> (i32, i32) {
    %c0_i32 = arith.constant 0 : i32
    %c0_i32_0 = arith.constant 0 : i32
    %c0_i32_1 = arith.constant 0 : i32
    return %c0_i32, %c0_i32_0 : i32, i32
  }
  func.func @transform_7(%arg0: i32, %arg1: i32) -> (i32, i32) {
    %c0_i32 = arith.constant 0 : i32
    %c0_i32_0 = arith.constant 0 : i32
    %c0_i32_1 = arith.constant 0 : i32
    return %c0_i32, %c0_i32_0 : i32, i32
  }
  func.func @transform_8(%arg0: i32, %arg1: i32) -> (i32, i32) {
    %c0_i32 = arith.constant 0 : i32
    %c0_i32_0 = arith.constant 0 : i32
    %c0_i32_1 = arith.constant 0 : i32
    return %c0_i32, %c0_i32_0 : i32, i32
  }
  func.func @transform_9(%arg0: i32, %arg1: i32) -> (i32, i32) {
    %c0_i32 = arith.constant 0 : i32
    %c0_i32_0 = arith.constant 0 : i32
    %c0_i32_1 = arith.constant 0 : i32
    return %c0_i32, %c0_i32_0 : i32, i32
  }
  func.func @transform_10(%arg0: i32, %arg1: i32) -> (i32, i32) {
    %c0_i32 = arith.constant 0 : i32
    %c0_i32_0 = arith.constant 0 : i32
    %c0_i32_1 = arith.constant 0 : i32
    return %c0_i32, %c0_i32_0 : i32, i32
  }
  func.func @transform_11(%arg0: i32, %arg1: i32) -> (i32, i32, i32) {
    %c0_i32 = arith.constant 0 : i32
    %c0_i32_0 = arith.constant 0 : i32
    return %arg0, %c0_i32, %arg1 : i32, i32, i32
  }
}

</mosaic_0001>

<sc_bundles>
// kernel: kernel.5.cloned.1.call-start
scs
__scs_entry_jumppad:
0x0: {  	(pc) =	sbr.rel $0x88, $3  }
0x1: {  	(tag) =	ssettag $0x0;
	lr =	simm.s32 $0x1  }
0x2: {  	[smem:$0x3F97] =	sst lr;
	_ =	strace $0xD0000000  }
0x3: {  	_ = 	snop  }
0x4: {  	_ = 	snop  }
0x5: {  	_ = 	snop  }
0x6: {  	_ = 	snop  }
0x7: {  	_ = 	snop  }
__scs_overlays_trampoline_lowered:
0x8: {  	[smem:$0x3FA6] =	sst s0  }
0x9: {  	[smem:$0x3FA7] =	sst s1  }
0xa: {  	[smem:$0x3FA8] =	sst s2  }
0xb: {  	[smem:$0x3FA9] =	sst s3  }
0xc: {  	[smem:$0x3FAA] =	sst s4  }
0xd: {  	[smem:$0x3FAB] =	sst s5  }
0xe: {  	[smem:$0x3FAC] =	sst s6  }
0xf: {  	[smem:$0x3FAD] =	sst s7  }
0x10: {  	[smem:$0x3FAE] =	sst s8  }
0x11: {  	[smem:$0x3FAF] =	sst s9;
	s0 =	simm.s32 @!p0 $0x0  }
0x12: {  	s1 =	sld [smem:$0x3F95];
	s0 =	simm.s32 @p0 $0x1  }
0x13: {  	[smem:$0x3FB0] =	sst s0;
	s0 =	simm.s32 @!p1 $0x0  }
0x14: {  	s2 =	sld [smem:$0x3F94];
	s0 =	simm.s32 @p1 $0x1  }
0x15: {  	[smem:$0x3FB1] =	sst s0;
	s0 =	simm.s32 @!p2 $0x0  }
0x16: {  	s3 =	sld [smem:$0x3FDB];
	s0 =	simm.s32 @p2 $0x1  }
0x17: {  	s4 =	simm.s32 $0x1BF5;
	[smem:$0x3FB3] =	sst s0  }
0x18: {  	s0 =	sld [smem:$0x3F96];
	_ =	swait.ge [sflag:s4], $0x0  }
0x19: {  	s7 =	sld [smem:$0x3F97]  }
0x1a: {  	s8 =	sadd.s32 $0xFFFFE003, lr  }
0x1b: {  	s9 =	sadd.s32 $0xFFFFFEF7, lr;
	s5 =	simm.s32 $0xFFFFFFFF;
	p2 =	slt.u32 s8, $0xFFFFF086  }
0x1c: {  	p1 =	slt.u32 s9, $0xF7A;
	s5 =	simm.s32 @!p2 $0x0  }
0x1d: {  	s5 =	simm.s32 @p1 $0x1;
	p0 =	seq.s32 s7, s2  }
0x1e: {  	s7 =	smul.u32 @!p0 $0xF7A, s2;
	p2 =	seq.s32 @!p0 s5, $0x0  }
0x1f: {  	s9 =	smul.u32 $0xF7A, s1;
	s8 =	simm.s32 @!p0 $0x1BF5;
	p2 =	por !p2, p0  }
0x20: {  	[sflag:s8] =	ssyncset.s32 @!p0 $0xFFFFF086;
	s6 =	sadd.s32 @!p0 s3, s7;
	s7 =	simm.s32 @!p0 $0x108  }
0x21: {  	s3 =	sadd.s32 s3, s9;
	s6 =	sadd.s32 @!p0 $0x88, s6;
	s7 =	simm.s32 @p2 $0x1082  }
0x22: {  	[simem:s7], [sflag:s8] =	dma.local @!p0 [hbm:s6], $0xF7A  }
0x23: {  	s9 =	sor.u32 $0xD0000000, s2;
	s6 =	simm.s32 $0x108;
	_ =	swait.ge @!p0 [sflag:s8], $0x0  }
0x24: {  	s3 =	sadd.s32 $0x88, s3;
	s6 =	simm.s32 @!p1 $0x1082;
	[sflag:s4] =	ssyncset.s32 $0xFFFFF086  }
0x25: {  	[simem:s6], [sflag:s4] =	dma.local [hbm:s3], $0xF7A  }
0x26: {  	[smem:$0x3F97] =	sst s1;
	(tag) =	ssettag s2;
	_ =	strace s9  }
0x27: {  	s1 =	sld [smem:$0x3FA7]  }
0x28: {  	s2 =	sld [smem:$0x3FA8]  }
0x29: {  	s4 =	sld [smem:$0x3FAA]  }
0x2a: {  	p0 =	seq.s32 s5, $0x0;
	s5 =	sld [smem:$0x3FAB]  }
0x2b: {  	s6 =	sld [smem:$0x3FAC]  }
0x2c: {  	s7 =	sld [smem:$0x3FAD]  }
0x2d: {  	s3 =	simm.s32 $0x108;
	s8 =	sld [smem:$0x3FAE]  }
0x2e: {  	s3 =	simm.s32 @!p0 $0x1082;
	s9 =	sld [smem:$0x3FAF]  }
0x2f: {  	lr =	sadd.s32 s0, s3;
	s0 =	sld [smem:$0x3FA6]  }
0x30: {  	s3 =	sld [smem:$0x3FA9]  }
0x31: {  	[smem:$0x3FB2] =	sst s10  }
0x32: {  	s10 =	sld [smem:$0x3FB0];
	_ =	sdelay $0x3  }
0x33: {  	p0 =	seq.s32 s10, $0x1;
	s10 =	sld [smem:$0x3FB2];
	_ =	sdelay $0x3  }
0x34: {  	[smem:$0x3FB2] =	sst s10  }
0x35: {  	s10 =	sld [smem:$0x3FB1];
	_ =	sdelay $0x3  }
0x36: {  	p1 =	seq.s32 s10, $0x1;
	s10 =	sld [smem:$0x3FB2];
	_ =	sdelay $0x3  }
0x37: {  	[smem:$0x3FB2] =	sst s10  }
0x38: {  	s10 =	sld [smem:$0x3FB3]  }
0x39: {  	_ = 	snop;
	(pc) =	sbr.ind lr, $3  }
0x3a: {  	_ = 	snop  }
0x3b: {  	_ = 	snop  }
0x3c: {  	p2 =	seq.s32 s10, $0x1;
	s10 =	sld [smem:$0x3FB2]  }
0x3d: {  	_ =	shalt  }
0x3e: {  	_ =	shalt  }
0x3f: {  	_ =	shalt  }
0x40: {  	_ =	shalt  }
0x41: {  	_ =	shalt  }
0x42: {  	_ =	shalt  }
0x43: {  	_ =	shalt  }
0x44: {  	_ =	shalt  }
0x45: {  	_ =	shalt  }
0x46: {  	_ =	shalt  }
0x47: {  	_ =	shalt  }
0x48: {  	_ =	shalt  }
0x49: {  	_ =	shalt  }
0x4a: {  	_ =	shalt  }
0x4b: {  	_ =	shalt  }
0x4c: {  	_ =	shalt  }
0x4d: {  	_ =	shalt  }
0x4e: {  	_ =	shalt  }
0x4f: {  	_ =	shalt  }
0x50: {  	_ =	shalt  }
0x51: {  	_ =	shalt  }
0x52: {  	_ =	shalt  }
0x53: {  	_ =	shalt  }
0x54: {  	_ =	shalt  }
0x55: {  	_ =	shalt  }
0x56: {  	_ =	shalt  }
0x57: {  	_ =	shalt  }
0x58: {  	_ =	shalt  }
0x59: {  	_ =	shalt  }
0x5a: {  	_ =	shalt  }
0x5b: {  	_ =	shalt  }
0x5c: {  	_ =	shalt  }
0x5d: {  	_ =	shalt  }
0x5e: {  	_ =	shalt  }
0x5f: {  	_ =	shalt  }
0x60: {  	_ =	shalt  }
0x61: {  	_ =	shalt  }
0x62: {  	_ =	shalt  }
0x63: {  	_ =	shalt  }
0x64: {  	_ =	shalt  }
0x65: {  	_ =	shalt  }
0x66: {  	_ =	shalt  }
0x67: {  	_ =	shalt  }
0x68: {  	_ =	shalt  }
0x69: {  	_ =	shalt  }
0x6a: {  	_ =	shalt  }
0x6b: {  	_ =	shalt  }
0x6c: {  	_ =	shalt  }
0x6d: {  	_ =	shalt  }
0x6e: {  	_ =	shalt  }
0x6f: {  	_ =	shalt  }
0x70: {  	_ =	shalt  }
0x71: {  	_ =	shalt  }
0x72: {  	_ =	shalt  }
0x73: {  	_ =	shalt  }
0x74: {  	_ =	shalt  }
0x75: {  	_ =	shalt  }
0x76: {  	_ =	shalt  }
0x77: {  	_ =	shalt  }
0x78: {  	_ =	shalt  }
0x79: {  	_ =	shalt  }
0x7a: {  	_ =	shalt  }
0x7b: {  	_ =	shalt  }
0x7c: {  	_ =	shalt  }
0x7d: {  	_ =	shalt  }
0x7e: {  	_ =	shalt  }
0x7f: {  	_ =	shalt  }
0x80: {  	_ =	shalt  }
0x81: {  	_ =	shalt  }
0x82: {  	_ =	shalt  }
0x83: {  	_ =	shalt  }
0x84: {  	_ =	shalt  }
0x85: {  	_ =	shalt  }
0x86: {  	_ =	shalt  }
0x87: {  	_ =	shalt  }
.Lfunc_end0:
.L_simem_size_0:
called_computation_lowered:
.L_overlay_start_0:
0x88: {  	s2 =	sld [smem:$0x3FD9]  }
0x89: {  	s3 =	sld [smem:$0x3FFE];
	_ =	sdelay $0x1  }
0x8a: {  	s1 =	srdreg.scid  }
0x8b: {  	s0 =	sand.u32 $0x1, s1  }
0x8c: {  	s17 =	sshll.u32 s0, $0xA;
	s2 =	sadd.s32 s3, s2  }
0x8d: {  	s2 =	sadd.s32 s2, s17  }
0x8e: {  	[smem:$0x3FBE] =	sst s2  }
0x8f: {  	_ = 	snop  }
0x90: {  	s2 =	sld [smem:$0x3FD0];
	(tm) =	ssettm $0x1  }
0x91: {  	s18 =	sld [smem:$0x3FFB];
	_ =	sdelay $0x3  }
0x92: {  	_ =	strace s18  }
0x93: {  	s3 =	sld [smem:$0x3FFC];
	_ =	sdelay $0x3  }
0x94: {  	_ =	strace s3  }
0x95: {  	s3 =	sld [smem:$0x3FFD];
	_ =	sdelay $0x3  }
0x96: {  	_ =	strace s3  }
0x97: {  	_ =	strace $0x8FFFFFFF  }
0x98: {  	s19 =	sld [smem:$0x3FDB];
	_ =	sdelay $0x1  }
0x99: {  	s4 =	simm.s32 $_scs_section_size  }
0x9a: {  	s5 =	simm.s32 $_size__tile_overlayer_lowered;
	s6 =	simm.s32 $_tile_overlayer_lowered  }
0x9b: {  	s22 =	simm.s32 $0x1BFF;
	s21 =	sshll.u32 s6, $0x1;
	s3 =	sadd.s32 s4, s19  }
0x9c: {  	s7 =	simm.s32 $0x0;
	s20 =	sshll.u32 s5, $0x1;
	s5 =	sadd.s32 s21, s3  }
0x9d: {  	[timem:s7], [sflag:s22] =	dma.local [hbm:s5], s20  }
0x9e: {  	_ =	swait.ge [sflag:s22], s20  }
0x9f: {  	s4 =	ssub.s32 $0x0, s20;
	[sflag:s22] =	ssyncset.done $0x0  }
0xa0: {  	[sflag:s22] =	ssyncadd.s32 s4;
	_ =	sdelay $0x1  }
0xa1: {  	s23 =	simm.s32 $0x1B8B  }
0xa2: {  	_ =	swait.ge [sflag:s23], $0x1  }
0xa3: {  	[sflag:s23] =	ssyncset.done $0x0  }
0xa4: {  	s25 =	simm.s32 $0x1B8E;
	s24 =	sld [smem:$0x3FFE];
	[sflag:s23] =	ssyncadd.s32 $0xFFFFFFFF  }
0xa5: {  	s26 =	simm.s32 $execute0_lowered;
	[smem:$0x3FD2] =	sst s25  }
0xa6: {  	s5 =	sshll.u32 s26, $0x1;
	_ =	strace $0x80000046;
	[dreg:$0x1] =	wrdreg $0xFFFFFFFF  }
0xa7: {  	s28 =	simm.s32 $_size_execute0_lowered;
	s3 =	sadd.s32 s3, s5;
	[dreg:$0x0] =	wrdreg $0x0  }
0xa8: {  	s5 =	sshll.u32 s28, $0x1;
	[dreg:$0x2] =	wrdreg s3  }
0xa9: {  	[dreg:$0x3] =	wrdreg s5  }
0xaa: {  	[dreg:$0x4] =	wrdreg $0xC0  }
0xab: {  	_ =	task [dreg:s7], $0x5FFFF  }
0xac: {  	[dreg:$0x1] =	wrdreg $0xFFFFFFFF  }
0xad: {  	[dreg:$0x0] =	wrdreg $0x60  }
0xae: {  	[dreg:$0x2] =	wrdreg s24  }
0xaf: {  	[dreg:$0x3] =	wrdreg s2  }
0xb0: {  	[dreg:$0x4] =	wrdreg $0x9  }
0xb1: {  	_ =	task.clear_ibuf [dreg:s7], $0x5FFFF;
	_ =	strace $0x90000046  }
0xb2: {  	s29 =	simm.s32 $0x9;
	_ =	strace $0x80000048  }
0xb3: {  	_ =	swait.ge [sflag:s29], $0x1  }
0xb4: {  	[sflag:s29] =	ssyncadd.s32 $0xFFFFFFFF  }
0xb5: {  	_ =	strace $0x90000048  }
0xb6: {  	_ =	sfence  }
0xb7: {  	s30 =	sld [smem:$0x0];
	_ =	sdelay $0x2  }
0xb8: {  	s31 =	sshll.u32 s1, $0xD;
	s1 =	sshrl.u32 s1, $0x2  }
0xb9: {  	s3 =	sand.u32 $0x4000, s31;
	s1 =	sadd.s32 s1, s30  }
0xba: {  	s0 =	sor.u32 s3, s0;
	s1 =	sshll.u32 s1, $0x11  }
0xbb: {  	s0 =	sor.u32 s1, s0  }
0xbc: {  	s0 =	sadd.s32 $0x8F2B, s0  }
0xbd: {  	[sflag:s0] =	ssyncadd.remote.s32 $0x1  }
0xbe: {  	_ =	sfence.sel $0xFFFF  }
0xbf: {  	[dreg:$0x0] =	wrdreg $0xFFFFFFFF;
	(pc) =	sbr.abs _section_cstart, $3  }
0xc0: {  	[dreg:$0x1] =	wrdreg $0xFFFFFFFF  }
0xc1: {  	_ =	task.clear_ibuf [dreg:s7], $0x2FFFF;
	_ =	strace $0x9FFFFFFF  }
0xc2: {  	(tm) =	ssettm $0x7FFFFFFF  }
0xc3: {  	_ =	shalt  }
tec
execute0_lowered:
.L_overlay_start_1:
0x0: {  	(tag) =	ssettag $0x1  }
0x1: {  	s1 =	srdreg.scid  }
0x2: {  	s0 =	stileid.u32;
	s6 =	sand.u32 $0x1, s1  }
0x3: {  	s5 =	rddreg [dreg:$0x0];
	s30 =	sshll.u32 s0, $0xD;
	s2 =	sshll.u32 s6, $0xC  }
0x4: {  	s8 =	rddreg [dreg:$0x1];
	s9 =	sor.u32 s2, s30  }
0x5: {  	s1 =	rddreg [dreg:$0x2];
	s2 =	simm.s32 $0x0;
	s3 =	sshrl.u32 s9, $0x3  }
0x6: {  	s10 =	ssub.s32 $0x2, s6;
	[smem:$0x7FF] =	sst s2;
	s3 =	sadd.s32 s3, s5  }
0x7: {  	_ =	strace $0x80000047;
	s4 =	sadd.s32 $0x1600, s3;
	s3 =	simm.s32 $0x2  }
0x8: {  	[tilespmem:s2], [sflag:$0x2] =	stream.linear.gather [hbm4b:s4+s2], $0x1000, $0x38;
	[tilespmem:$0x11000] =	vst v63  }
0x9: {  	s7 =	simm.s32 $0x1;
	s11 =	sshrl.u32 s10, $0x1;
	_ =	swait.ge [sflag:s3], $0x1000  }
0xa: {  	s6 =	simm.s32 $0x1000;
	s10 =	ssub.s32 s10, s11;
	[sflag:s3] =	ssyncset.done $0x0  }
0xb: {  	s5 =	sadd.s32 $0x5600, s5;
	s31 =	smax.u32 s10, $0x1;
	[sflag:s3] =	ssyncadd.s32 $0xFFFFF000  }
0xc: {  	[tilespmem:s6], [sflag:$0x1] =	stream.indirect.gather [hbm4b:s5+s6], $0x10, s2, s6, $0xb8;
	[tilespmem:$0x11000] =	vst v63  }
0xd: {  	p0 =	sne.s32 s31, $0x1;
	_ =	swait.ge [sflag:s7], $0x10000  }
.Ltmp0:
0xe: {  	s9 =	sshll.u32 s9, $0x1;
	[sflag:s7] =	ssyncset.done $0x0;
	(pc) =	sbr.rel @!p0 .LBB2_2-.Ltmp0, $4  }
0xf: {  	s8 =	sadd.s32 s8, s9;
	[sflag:s7] =	ssyncadd.s32 $0xFFFF0000  }
0x10: {  	[hbm4b:s8+s2] =	stream.linear.scatter [tilespmem:s6], [sflag:$0x2], $0x10000, $0x38;
	[tilespmem:$0x11000] =	vst v63  }
0x11: {  	_ =	swait.ge [sflag:s3], $0x10000  }
0x12: {  	s9 =	sadd.s32 $0xFFFFFFFF, s31;
	[sflag:s3] =	ssyncset.done $0x0  }
.LBB2_1:
0x13: {  	p0 =	sne.s32 s9, $0x1;
	s9 =	sadd.s32 $0xFFFFFFFF, s9;
	[sflag:s3] =	ssyncadd.s32 $0xFFFF0000  }
0x14: {  	[tilespmem:s2], [sflag:$0x2] =	stream.linear.gather [hbm4b:s4+s2], $0x1000, $0x38;
	[tilespmem:$0x11000] =	vst v63  }
0x15: {  	_ =	swait.ge [sflag:s3], $0x1000  }
0x16: {  	[sflag:s3] =	ssyncset.done $0x0  }
0x17: {  	[sflag:s3] =	ssyncadd.s32 $0xFFFFF000  }
0x18: {  	[tilespmem:s6], [sflag:$0x1] =	stream.indirect.gather [hbm4b:s5+s6], $0x10, s2, s6, $0xb8;
	[tilespmem:$0x11000] =	vst v63  }
0x19: {  	_ =	swait.ge [sflag:s7], $0x10000  }
.Ltmp1:
0x1a: {  	[sflag:s7] =	ssyncset.done $0x0;
	(pc) =	sbr.rel @p0 .LBB2_1-.Ltmp1, $4  }
0x1b: {  	[sflag:s7] =	ssyncadd.s32 $0xFFFF0000  }
0x1c: {  	[hbm4b:s8+s2] =	stream.linear.scatter [tilespmem:s6], [sflag:$0x2], $0x10000, $0x38;
	[tilespmem:$0x11000] =	vst v63  }
0x1d: {  	_ =	swait.ge [sflag:s3], $0x10000  }
0x1e: {  	[sflag:s3] =	ssyncset.done $0x0  }
.LBB2_2:
0x1f: {  	[sflag:s3] =	ssyncadd.s32 $0xFFFF0000  }
0x20: {  	_ =	sfence.sel $0x180000  }
0x21: {  	[bflag:$0x0] =	sbarrier.arrive $0xFFFF  }
0x22: {  	p0 =	sne.s32 s0, $0x0;
	_ =	strace $0x90000047  }
0x23: {  	s0 =	sadd.s32 @!p0 $0x100000, s1;
	[bflag:$0x2] =	sbarrier.arrive $0xFFFF  }
0x24: {  	[sflag:s0] =	ssyncadd.tile.s32 @!p0 $0x1;
	_ =	shalt  }
.Lfunc_end2:
_tile_overlayer_lowered:
.L_overlay_start_2:
0x25: {  	(tag) =	ssettag $0x2  }
0x26: {  	s0 =	rddreg [dreg:$0x0];
	s2 =	stileid.u32  }
0x27: {  	s1 =	rddreg [dreg:$0x1];
	p0 =	sne.s32 s2, $0x0  }
0x28: {  	s3 =	rddreg [dreg:$0x2];
	[bflag:$0x3] =	sbarrier.arrive $0xFFFF;
	s2 =	simm.s32 @!p0 $0x1C02  }
0x29: {  	[timem:s3], [sflag:s2] =	dma.local @!p0 [hbm:s0], s1  }
0x2a: {  	s0 =	simm.s32 @!p0 $0x2  }
0x2b: {  	_ =	swait.ge @!p0 [sflag:s0], s1  }
0x2c: {  	s1 =	ssub.s32 @!p0 $0x0, s1;
	[sflag:s0] =	ssyncset.done @!p0 $0x0  }
0x2d: {  	[sflag:s0] =	ssyncadd.s32 @!p0 s1  }
0x2e: {  	[bflag:$0x3] =	sbarrier.arrive $0xFFFF  }
0x2f: {  	_ =	shalt  }

</sc_bundles>
